<compile_context>
chip_gen: v7x
topology: tpu7x:2x2x1
jax: 0.10.2.dev20260603
libtpu: 0.0.44.dev20260713+nightly
codegen_flags: <defaults>
</compile_context>

<pallas_src>
import functools

import jax
import jax.numpy as jnp
from jax import lax
from jax.experimental import pallas as pl
from jax.experimental.pallas import tpu as pltpu
from jax.experimental.pallas import tpu_sc as plsc

NUM_POINTS = 20
DISTANCE_THRESHOLD = 2.0


def _match_kernel(pred_ref, gtT_ref, conf_ref, idx_ref):
    pred = pred_ref[...]
    gtT = gtT_ref[...]
    n, _ = pred.shape
    m = gtT.shape[1]

    acc = jnp.zeros((n, m), dtype=jnp.float32)
    for p in range(NUM_POINTS):
        dx = pred[:, 2 * p:2 * p + 1] - gtT[2 * p:2 * p + 1, :]
        dy = pred[:, 2 * p + 1:2 * p + 2] - gtT[2 * p + 1:2 * p + 2, :]
        d2 = dx * dx + dy * dy + 1e-20
        acc = acc + d2 * jax.lax.rsqrt(d2)

    dmin_raw = jnp.min(acc, axis=1, keepdims=True)
    lane = jax.lax.broadcasted_iota(jnp.int32, (n, m), 1)
    idx = jnp.min(jnp.where(acc == dmin_raw, lane, m), axis=1,
                  keepdims=True)

    dmin = dmin_raw * (1.0 / NUM_POINTS)
    conf = jnp.exp(-dmin)
    conf_ref[...] = jnp.where(dmin > DISTANCE_THRESHOLD,
                              jnp.zeros_like(conf), conf)
    idx_ref[...] = idx


def _tc_match(pred2, gtT):
    n = pred2.shape[0]
    m = gtT.shape[1]
    bn = 512
    return pl.pallas_call(
        _match_kernel,
        grid=(n // bn,),
        compiler_params=pltpu.CompilerParams(
            dimension_semantics=("parallel",)),
        in_specs=[
            pl.BlockSpec((bn, pred2.shape[1]), lambda i: (i, 0)),
            pl.BlockSpec((gtT.shape[0], m), lambda i: (0, 0)),
        ],
        out_specs=(
            pl.BlockSpec((bn, 1), lambda i: (i, 0)),
            pl.BlockSpec((bn, 1), lambda i: (i, 0)),
        ),
        out_shape=(
            jax.ShapeDtypeStruct((n, 1), jnp.float32),
            jax.ShapeDtypeStruct((n, 1), jnp.int32),
        ),
    )(pred2, gtT)


def _make_sc_gather(n_rows, d, b_per_w, nc):
    mesh = plsc.VectorSubcoreMesh(core_axis_name="c", subcore_axis_name="s")

    @functools.partial(
        pl.kernel, mesh=mesh,
        out_type=jax.ShapeDtypeStruct((n_rows, d), jnp.float32),
        scratch_types=[
            pltpu.VMEM((b_per_w,), jnp.int32),
            pltpu.VMEM((b_per_w, d), jnp.float32),
            pltpu.SemaphoreType.DMA,
        ],
    )
    def gather_k(table_hbm, idx_hbm, out_hbm, idx_v, rows_v, sem):
        wid = lax.axis_index("s") * nc + lax.axis_index("c")
        base = wid * b_per_w
        pltpu.sync_copy(idx_hbm.at[pl.ds(base, b_per_w)], idx_v)
        pltpu.async_copy(table_hbm.at[idx_v], rows_v, sem).wait()
        pltpu.sync_copy(rows_v, out_hbm.at[pl.ds(base, b_per_w)])

    return gather_k


@jax.jit
def kernel(pred_points, gt_points):
    n, p, _ = pred_points.shape
    m = gt_points.shape[0]
    pred2 = pred_points.reshape(n, 2 * p)
    gt_flat = gt_points.reshape(m, 2 * p)
    gtT = gt_flat.T

    conf, idx = _tc_match(pred2, gtT)

    info = plsc.get_sparse_core_info()
    nw = info.num_cores * info.num_subcores
    d_pad = 128
    gt_pad = jnp.pad(gt_flat, ((0, 0), (0, d_pad - 2 * p)))
    gather_k = _make_sc_gather(n, d_pad, n // nw, info.num_cores)
    matched = gather_k(gt_pad, idx[:, 0])[:, :2 * p]

    return matched.reshape(n, p, 2), conf, idx[:, 0]

# --- scband reference (transcript-rebuilt; emitter-appended) ---
"""Pipeline reference for scband-point-matcher-29437705847326 (READ-ONLY COPY).

The authoritative reference and input builder live on the scoring server;
editing this copy changes nothing except your own understanding.
"""

import jax, jax.numpy as jnp
import numpy as np

NUM_POINTS = 20
DISTANCE_THRESHOLD = 2.0
CONFIDENCE_SIGMA = 1.0


def setup_inputs(seed: int = 0) -> dict:
    key = jax.random.key(seed)
    k1, k2 = jax.random.split(key)
    pred_points = jax.random.normal(k1, (2048, NUM_POINTS, 2), dtype=jnp.float32)
    gt_points = jax.random.normal(k2, (512, NUM_POINTS, 2), dtype=jnp.float32)
    return {"pred_points": pred_points, "gt_points": gt_points}


def reference(pred_points, gt_points):
    # compute_simple_distance: mean over per-point euclidean distances
    p1 = pred_points[:, None, :, :]   # (N, 1, P, 2)
    p2 = gt_points[None, :, :, :]     # (1, M, P, 2)
    point_d = jnp.sqrt(((p1 - p2) ** 2).sum(-1))  # (N, M, P)
    distances = point_d.mean(-1)                    # (N, M)
    min_distances = distances.min(axis=1)           # (N,)
    matched_indices = jnp.argmin(distances, axis=1) # (N,)
    matched_points = jnp.take(gt_points, matched_indices, axis=0)  # (N, P, 2)
    confidence = jnp.exp(-min_distances / CONFIDENCE_SIGMA)[:, None]  # (N, 1)
    confidence = jnp.where((min_distances > DISTANCE_THRESHOLD)[:, None],
                           jnp.zeros_like(confidence), confidence)
    return matched_points, confidence, matched_indices

if __name__ == "__main__":
    import jax
    _d = setup_inputs()
    print(jax.jit(kernel)(*tuple(_d.values())))

</pallas_src>

<mosaic_0001>
#map = affine_map<(d0, d1) -> (0, 0)>
#map1 = affine_map<(d0, d1) -> (0)>
module attributes {stable_mosaic.version = 14 : i64} {
  func.func @gather_k(%arg0: i32, %arg1: i32, %arg2: memref<512x128xf32, #tpu.memory_space<hbm>>, %arg3: memref<2048xi32, #tpu.memory_space<hbm>>, %arg4: memref<2048x128xf32, #tpu.memory_space<hbm>>, %arg5: memref<64xi32, #tpu.memory_space<vmem>>, %arg6: memref<64x128xf32, #tpu.memory_space<vmem>>, %arg7: memref<!tpu.dma_semaphore, #tpu.memory_space<semaphore_mem>>) attributes {dimension_semantics = [#tpu.dimension_semantics<core_parallel>, #tpu.dimension_semantics<subcore_parallel>], iteration_bounds = array<i64: 2, 16>, scalar_prefetch = 0 : i64, scratch_operands = 3 : i64, tpu.core_type = #tpu.core_type<sc_vector_subcore>, window_params = [{transform_indices = #map}, {transform_indices = #map1}, {transform_indices = #map}]} {
    %mul3A = arith.constant 2 : i32
    %mul3A_0 = arith.muli %arg1, %mul3A : i32
    %add3A = arith.addi %mul3A_0, %arg0 : i32
    %mul3A_1 = arith.constant 64 : i32
    %mul3A_2 = arith.muli %add3A, %mul3A_1 : i32
    "tpu.region"() ({
      %run_scoped3A = tpu.sem_alloc : memref<!tpu.dma_semaphore, #tpu.memory_space<semaphore_mem>>
      %dma_start3A_7 = tpu.memref_slice %arg3[%mul3A_2] : memref<2048xi32, #tpu.memory_space<hbm>> -> memref<64xi32, #tpu.memory_space<hbm>>
      %dma_start3A_8 = tpu.memref_slice %arg3[%mul3A_2] : memref<2048xi32, #tpu.memory_space<hbm>> -> memref<64xi32, #tpu.memory_space<hbm>>
      tpu.enqueue_dma source(%dma_start3A_8 : memref<64xi32, #tpu.memory_space<hbm>>) target(%arg5 : memref<64xi32, #tpu.memory_space<vmem>>) target_semaphore(%run_scoped3A : memref<!tpu.dma_semaphore, #tpu.memory_space<semaphore_mem>>)
      %dma_wait3A_9 = tpu.memref_slice %arg3[%mul3A_2] : memref<2048xi32, #tpu.memory_space<hbm>> -> memref<64xi32, #tpu.memory_space<hbm>>
      %dma_wait3A_10 = tpu.memref_slice %arg3[%mul3A_2] : memref<2048xi32, #tpu.memory_space<hbm>> -> memref<64xi32, #tpu.memory_space<hbm>>
      tpu.wait_dma2 semaphore(%run_scoped3A : memref<!tpu.dma_semaphore, #tpu.memory_space<semaphore_mem>>) src(%dma_wait3A_10 : memref<64xi32, #tpu.memory_space<hbm>>) dst(%arg5 : memref<64xi32, #tpu.memory_space<vmem>>)
      tpu.yield
    }) : () -> ()
    %dma_start3A = arith.constant 0 : i32
    %dma_start3A_3 = arith.constant 0 : i32
    %dma_start3A_4 = tpu.memref_slice %arg2[%dma_start3A, %dma_start3A_3] : memref<512x128xf32, #tpu.memory_space<hbm>> -> memref<512x128xf32, #tpu.memory_space<hbm>>
    tpu.enqueue_indirect_dma source(%dma_start3A_4 : memref<512x128xf32, #tpu.memory_space<hbm>>) target(%arg6 : memref<64x128xf32, #tpu.memory_space<vmem>>) offsets(%arg5 : memref<64xi32, #tpu.memory_space<vmem>>) semaphore(%arg7 : memref<!tpu.dma_semaphore, #tpu.memory_space<semaphore_mem>>)
    %dma_wait3A = arith.constant 0 : i32
    %dma_wait3A_5 = arith.constant 0 : i32
    %dma_wait3A_6 = tpu.memref_slice %arg2[%dma_wait3A, %dma_wait3A_5] : memref<512x128xf32, #tpu.memory_space<hbm>> -> memref<512x128xf32, #tpu.memory_space<hbm>>
    tpu.wait_indirect_dma semaphore(%arg7 : memref<!tpu.dma_semaphore, #tpu.memory_space<semaphore_mem>>) src(%dma_wait3A_6 : memref<512x128xf32, #tpu.memory_space<hbm>>) dst(%arg6 : memref<64x128xf32, #tpu.memory_space<vmem>>)
    "tpu.region"() ({
      %run_scoped3A = tpu.sem_alloc : memref<!tpu.dma_semaphore, #tpu.memory_space<semaphore_mem>>
      %dma_start3A_7 = arith.constant 0 : i32
      %dma_start3A_8 = tpu.memref_slice %arg4[%mul3A_2, %dma_start3A_7] : memref<2048x128xf32, #tpu.memory_space<hbm>> -> memref<64x128xf32, #tpu.memory_space<hbm>>
      %dma_start3A_9 = arith.constant 0 : i32
      %dma_start3A_10 = tpu.memref_slice %arg4[%mul3A_2, %dma_start3A_9] : memref<2048x128xf32, #tpu.memory_space<hbm>> -> memref<64x128xf32, #tpu.memory_space<hbm>>
      tpu.enqueue_dma source(%arg6 : memref<64x128xf32, #tpu.memory_space<vmem>>) target(%dma_start3A_10 : memref<64x128xf32, #tpu.memory_space<hbm>>) target_semaphore(%run_scoped3A : memref<!tpu.dma_semaphore, #tpu.memory_space<semaphore_mem>>)
      %dma_wait3A_11 = arith.constant 0 : i32
      %dma_wait3A_12 = tpu.memref_slice %arg4[%mul3A_2, %dma_wait3A_11] : memref<2048x128xf32, #tpu.memory_space<hbm>> -> memref<64x128xf32, #tpu.memory_space<hbm>>
      %dma_wait3A_13 = arith.constant 0 : i32
      %dma_wait3A_14 = tpu.memref_slice %arg4[%mul3A_2, %dma_wait3A_13] : memref<2048x128xf32, #tpu.memory_space<hbm>> -> memref<64x128xf32, #tpu.memory_space<hbm>>
      tpu.wait_dma2 semaphore(%run_scoped3A : memref<!tpu.dma_semaphore, #tpu.memory_space<semaphore_mem>>) src(%arg6 : memref<64x128xf32, #tpu.memory_space<vmem>>) dst(%dma_wait3A_14 : memref<64x128xf32, #tpu.memory_space<hbm>>)
      tpu.yield
    }) : () -> ()
    return
  }
}

module attributes {stable_mosaic.version = 14 : i64} {
  func.func @_match_kernel(%arg0: i32, %arg1: memref<512x40xf32, #tpu.memory_space<vmem>>, %arg2: memref<40x512xf32, #tpu.memory_space<vmem>>, %arg3: memref<512x1xf32, #tpu.memory_space<vmem>>, %arg4: memref<512x1xi32, #tpu.memory_space<vmem>>) attributes {dimension_semantics = [#tpu.dimension_semantics<parallel>], iteration_bounds = array<i64: 4>, scalar_prefetch = 0 : i64, scratch_operands = 0 : i64, tpu.core_type = #tpu.core_type<tc>, window_params = [{transform_indices = @transform_0, window_bounds = array<i64: 512, 40>}, {pipeline_mode = #tpu.pipeline_mode<synchronous>, transform_indices = @transform_1, window_bounds = array<i64: 40, 512>}, {transform_indices = @transform_2, window_bounds = array<i64: 512, 1>}, {transform_indices = @transform_3, window_bounds = array<i64: 512, 1>}]} {
    %get3A = arith.constant 0 : index
    %get3A_0 = arith.constant 0 : index
    %get3A_1 = vector.load %arg1[%get3A, %get3A_0] : memref<512x40xf32, #tpu.memory_space<vmem>>, vector<512x40xf32>
    %get3A_2 = arith.constant 0 : index
    %get3A_3 = arith.constant 0 : index
    %get3A_4 = vector.load %arg2[%get3A_2, %get3A_3] : memref<40x512xf32, #tpu.memory_space<vmem>>, vector<40x512xf32>
    %broadcast_in_dim3A = arith.constant 0.000000e+00 : f32
    %broadcast_in_dim3A_5 = vector.broadcast %broadcast_in_dim3A : f32 to vector<512x512xf32>
    %slice3A = vector.extract_strided_slice %get3A_1 {offsets = [0, 0], sizes = [512, 1], strides = [1, 1]} : vector<512x40xf32> to vector<512x1xf32>
    %slice3A_6 = vector.extract_strided_slice %get3A_4 {offsets = [0, 0], sizes = [1, 512], strides = [1, 1]} : vector<40x512xf32> to vector<1x512xf32>
    %sub3A = vector.broadcast %slice3A : vector<512x1xf32> to vector<512x512xf32>
    %sub3A_7 = vector.broadcast %slice3A_6 : vector<1x512xf32> to vector<512x512xf32>
    %sub3A_8 = arith.subf %sub3A, %sub3A_7 : vector<512x512xf32>
    %slice3A_9 = vector.extract_strided_slice %get3A_1 {offsets = [0, 1], sizes = [512, 1], strides = [1, 1]} : vector<512x40xf32> to vector<512x1xf32>
    %slice3A_10 = vector.extract_strided_slice %get3A_4 {offsets = [1, 0], sizes = [1, 512], strides = [1, 1]} : vector<40x512xf32> to vector<1x512xf32>
    %sub3A_11 = vector.broadcast %slice3A_9 : vector<512x1xf32> to vector<512x512xf32>
    %sub3A_12 = vector.broadcast %slice3A_10 : vector<1x512xf32> to vector<512x512xf32>
    %sub3A_13 = arith.subf %sub3A_11, %sub3A_12 : vector<512x512xf32>
    %mul3A = arith.mulf %sub3A_8, %sub3A_8 : vector<512x512xf32>
    %mul3A_14 = arith.mulf %sub3A_13, %sub3A_13 : vector<512x512xf32>
    %add3A = arith.addf %mul3A, %mul3A_14 : vector<512x512xf32>
    %add3A_15 = arith.constant 9.99999968E-21 : f32
    %add3A_16 = vector.broadcast %add3A_15 : f32 to vector<512x512xf32>
    %add3A_17 = arith.addf %add3A, %add3A_16 : vector<512x512xf32>
    %rsqrt3A = math.rsqrt %add3A_17 : vector<512x512xf32>
    %mul3A_18 = arith.mulf %add3A_17, %rsqrt3A : vector<512x512xf32>
    %add3A_19 = arith.addf %broadcast_in_dim3A_5, %mul3A_18 : vector<512x512xf32>
    %slice3A_20 = vector.extract_strided_slice %get3A_1 {offsets = [0, 2], sizes = [512, 1], strides = [1, 1]} : vector<512x40xf32> to vector<512x1xf32>
    %slice3A_21 = vector.extract_strided_slice %get3A_4 {offsets = [2, 0], sizes = [1, 512], strides = [1, 1]} : vector<40x512xf32> to vector<1x512xf32>
    %sub3A_22 = vector.broadcast %slice3A_20 : vector<512x1xf32> to vector<512x512xf32>
    %sub3A_23 = vector.broadcast %slice3A_21 : vector<1x512xf32> to vector<512x512xf32>
    %sub3A_24 = arith.subf %sub3A_22, %sub3A_23 : vector<512x512xf32>
    %slice3A_25 = vector.extract_strided_slice %get3A_1 {offsets = [0, 3], sizes = [512, 1], strides = [1, 1]} : vector<512x40xf32> to vector<512x1xf32>
    %slice3A_26 = vector.extract_strided_slice %get3A_4 {offsets = [3, 0], sizes = [1, 512], strides = [1, 1]} : vector<40x512xf32> to vector<1x512xf32>
    %sub3A_27 = vector.broadcast %slice3A_25 : vector<512x1xf32> to vector<512x512xf32>
    %sub3A_28 = vector.broadcast %slice3A_26 : vector<1x512xf32> to vector<512x512xf32>
    %sub3A_29 = arith.subf %sub3A_27, %sub3A_28 : vector<512x512xf32>
    %mul3A_30 = arith.mulf %sub3A_24, %sub3A_24 : vector<512x512xf32>
    %mul3A_31 = arith.mulf %sub3A_29, %sub3A_29 : vector<512x512xf32>
    %add3A_32 = arith.addf %mul3A_30, %mul3A_31 : vector<512x512xf32>
    %add3A_33 = arith.constant 9.99999968E-21 : f32
    %add3A_34 = vector.broadcast %add3A_33 : f32 to vector<512x512xf32>
    %add3A_35 = arith.addf %add3A_32, %add3A_34 : vector<512x512xf32>
    %rsqrt3A_36 = math.rsqrt %add3A_35 : vector<512x512xf32>
    %mul3A_37 = arith.mulf %add3A_35, %rsqrt3A_36 : vector<512x512xf32>
    %add3A_38 = arith.addf %add3A_19, %mul3A_37 : vector<512x512xf32>
    %slice3A_39 = vector.extract_strided_slice %get3A_1 {offsets = [0, 4], sizes = [512, 1], strides = [1, 1]} : vector<512x40xf32> to vector<512x1xf32>
    %slice3A_40 = vector.extract_strided_slice %get3A_4 {offsets = [4, 0], sizes = [1, 512], strides = [1, 1]} : vector<40x512xf32> to vector<1x512xf32>
    %sub3A_41 = vector.broadcast %slice3A_39 : vector<512x1xf32> to vector<512x512xf32>
    %sub3A_42 = vector.broadcast %slice3A_40 : vector<1x512xf32> to vector<512x512xf32>
    %sub3A_43 = arith.subf %sub3A_41, %sub3A_42 : vector<512x512xf32>
    %slice3A_44 = vector.extract_strided_slice %get3A_1 {offsets = [0, 5], sizes = [512, 1], strides = [1, 1]} : vector<512x40xf32> to vector<512x1xf32>
    %slice3A_45 = vector.extract_strided_slice %get3A_4 {offsets = [5, 0], sizes = [1, 512], strides = [1, 1]} : vector<40x512xf32> to vector<1x512xf32>
    %sub3A_46 = vector.broadcast %slice3A_44 : vector<512x1xf32> to vector<512x512xf32>
    %sub3A_47 = vector.broadcast %slice3A_45 : vector<1x512xf32> to vector<512x512xf32>
    %sub3A_48 = arith.subf %sub3A_46, %sub3A_47 : vector<512x512xf32>
    %mul3A_49 = arith.mulf %sub3A_43, %sub3A_43 : vector<512x512xf32>
    %mul3A_50 = arith.mulf %sub3A_48, %sub3A_48 : vector<512x512xf32>
    %add3A_51 = arith.addf %mul3A_49, %mul3A_50 : vector<512x512xf32>
    %add3A_52 = arith.constant 9.99999968E-21 : f32
    %add3A_53 = vector.broadcast %add3A_52 : f32 to vector<512x512xf32>
    %add3A_54 = arith.addf %add3A_51, %add3A_53 : vector<512x512xf32>
    %rsqrt3A_55 = math.rsqrt %add3A_54 : vector<512x512xf32>
    %mul3A_56 = arith.mulf %add3A_54, %rsqrt3A_55 : vector<512x512xf32>
    %add3A_57 = arith.addf %add3A_38, %mul3A_56 : vector<512x512xf32>
    %slice3A_58 = vector.extract_strided_slice %get3A_1 {offsets = [0, 6], sizes = [512, 1], strides = [1, 1]} : vector<512x40xf32> to vector<512x1xf32>
    %slice3A_59 = vector.extract_strided_slice %get3A_4 {offsets = [6, 0], sizes = [1, 512], strides = [1, 1]} : vector<40x512xf32> to vector<1x512xf32>
    %sub3A_60 = vector.broadcast %slice3A_58 : vector<512x1xf32> to vector<512x512xf32>
    %sub3A_61 = vector.broadcast %slice3A_59 : vector<1x512xf32> to vector<512x512xf32>
    %sub3A_62 = arith.subf %sub3A_60, %sub3A_61 : vector<512x512xf32>
    %slice3A_63 = vector.extract_strided_slice %get3A_1 {offsets = [0, 7], sizes = [512, 1], strides = [1, 1]} : vector<512x40xf32> to vector<512x1xf32>
    %slice3A_64 = vector.extract_strided_slice %get3A_4 {offsets = [7, 0], sizes = [1, 512], strides = [1, 1]} : vector<40x512xf32> to vector<1x512xf32>
    %sub3A_65 = vector.broadcast %slice3A_63 : vector<512x1xf32> to vector<512x512xf32>
    %sub3A_66 = vector.broadcast %slice3A_64 : vector<1x512xf32> to vector<512x512xf32>
    %sub3A_67 = arith.subf %sub3A_65, %sub3A_66 : vector<512x512xf32>
    %mul3A_68 = arith.mulf %sub3A_62, %sub3A_62 : vector<512x512xf32>
    %mul3A_69 = arith.mulf %sub3A_67, %sub3A_67 : vector<512x512xf32>
    %add3A_70 = arith.addf %mul3A_68, %mul3A_69 : vector<512x512xf32>
    %add3A_71 = arith.constant 9.99999968E-21 : f32
    %add3A_72 = vector.broadcast %add3A_71 : f32 to vector<512x512xf32>
    %add3A_73 = arith.addf %add3A_70, %add3A_72 : vector<512x512xf32>
    %rsqrt3A_74 = math.rsqrt %add3A_73 : vector<512x512xf32>
    %mul3A_75 = arith.mulf %add3A_73, %rsqrt3A_74 : vector<512x512xf32>
    %add3A_76 = arith.addf %add3A_57, %mul3A_75 : vector<512x512xf32>
    %slice3A_77 = vector.extract_strided_slice %get3A_1 {offsets = [0, 8], sizes = [512, 1], strides = [1, 1]} : vector<512x40xf32> to vector<512x1xf32>
    %slice3A_78 = vector.extract_strided_slice %get3A_4 {offsets = [8, 0], sizes = [1, 512], strides = [1, 1]} : vector<40x512xf32> to vector<1x512xf32>
    %sub3A_79 = vector.broadcast %slice3A_77 : vector<512x1xf32> to vector<512x512xf32>
    %sub3A_80 = vector.broadcast %slice3A_78 : vector<1x512xf32> to vector<512x512xf32>
    %sub3A_81 = arith.subf %sub3A_79, %sub3A_80 : vector<512x512xf32>
    %slice3A_82 = vector.extract_strided_slice %get3A_1 {offsets = [0, 9], sizes = [512, 1], strides = [1, 1]} : vector<512x40xf32> to vector<512x1xf32>
    %slice3A_83 = vector.extract_strided_slice %get3A_4 {offsets = [9, 0], sizes = [1, 512], strides = [1, 1]} : vector<40x512xf32> to vector<1x512xf32>
    %sub3A_84 = vector.broadcast %slice3A_82 : vector<512x1xf32> to vector<512x512xf32>
    %sub3A_85 = vector.broadcast %slice3A_83 : vector<1x512xf32> to vector<512x512xf32>
    %sub3A_86 = arith.subf %sub3A_84, %sub3A_85 : vector<512x512xf32>
    %mul3A_87 = arith.mulf %sub3A_81, %sub3A_81 : vector<512x512xf32>
    %mul3A_88 = arith.mulf %sub3A_86, %sub3A_86 : vector<512x512xf32>
    %add3A_89 = arith.addf %mul3A_87, %mul3A_88 : vector<512x512xf32>
    %add3A_90 = arith.constant 9.99999968E-21 : f32
    %add3A_91 = vector.broadcast %add3A_90 : f32 to vector<512x512xf32>
    %add3A_92 = arith.addf %add3A_89, %add3A_91 : vector<512x512xf32>
    %rsqrt3A_93 = math.rsqrt %add3A_92 : vector<512x512xf32>
    %mul3A_94 = arith.mulf %add3A_92, %rsqrt3A_93 : vector<512x512xf32>
    %add3A_95 = arith.addf %add3A_76, %mul3A_94 : vector<512x512xf32>
    %slice3A_96 = vector.extract_strided_slice %get3A_1 {offsets = [0, 10], sizes = [512, 1], strides = [1, 1]} : vector<512x40xf32> to vector<512x1xf32>
    %slice3A_97 = vector.extract_strided_slice %get3A_4 {offsets = [10, 0], sizes = [1, 512], strides = [1, 1]} : vector<40x512xf32> to vector<1x512xf32>
    %sub3A_98 = vector.broadcast %slice3A_96 : vector<512x1xf32> to vector<512x512xf32>
    %sub3A_99 = vector.broadcast %slice3A_97 : vector<1x512xf32> to vector<512x512xf32>
    %sub3A_100 = arith.subf %sub3A_98, %sub3A_99 : vector<512x512xf32>
    %slice3A_101 = vector.extract_strided_slice %get3A_1 {offsets = [0, 11], sizes = [512, 1], strides = [1, 1]} : vector<512x40xf32> to vector<512x1xf32>
    %slice3A_102 = vector.extract_strided_slice %get3A_4 {offsets = [11, 0], sizes = [1, 512], strides = [1, 1]} : vector<40x512xf32> to vector<1x512xf32>
    %sub3A_103 = vector.broadcast %slice3A_101 : vector<512x1xf32> to vector<512x512xf32>
    %sub3A_104 = vector.broadcast %slice3A_102 : vector<1x512xf32> to vector<512x512xf32>
    %sub3A_105 = arith.subf %sub3A_103, %sub3A_104 : vector<512x512xf32>
    %mul3A_106 = arith.mulf %sub3A_100, %sub3A_100 : vector<512x512xf32>
    %mul3A_107 = arith.mulf %sub3A_105, %sub3A_105 : vector<512x512xf32>
    %add3A_108 = arith.addf %mul3A_106, %mul3A_107 : vector<512x512xf32>
    %add3A_109 = arith.constant 9.99999968E-21 : f32
    %add3A_110 = vector.broadcast %add3A_109 : f32 to vector<512x512xf32>
    %add3A_111 = arith.addf %add3A_108, %add3A_110 : vector<512x512xf32>
    %rsqrt3A_112 = math.rsqrt %add3A_111 : vector<512x512xf32>
    %mul3A_113 = arith.mulf %add3A_111, %rsqrt3A_112 : vector<512x512xf32>
    %add3A_114 = arith.addf %add3A_95, %mul3A_113 : vector<512x512xf32>
    %slice3A_115 = vector.extract_strided_slice %get3A_1 {offsets = [0, 12], sizes = [512, 1], strides = [1, 1]} : vector<512x40xf32> to vector<512x1xf32>
    %slice3A_116 = vector.extract_strided_slice %get3A_4 {offsets = [12, 0], sizes = [1, 512], strides = [1, 1]} : vector<40x512xf32> to vector<1x512xf32>
    %sub3A_117 = vector.broadcast %slice3A_115 : vector<512x1xf32> to vector<512x512xf32>
    %sub3A_118 = vector.broadcast %slice3A_116 : vector<1x512xf32> to vector<512x512xf32>
    %sub3A_119 = arith.subf %sub3A_117, %sub3A_118 : vector<512x512xf32>
    %slice3A_120 = vector.extract_strided_slice %get3A_1 {offsets = [0, 13], sizes = [512, 1], strides = [1, 1]} : vector<512x40xf32> to vector<512x1xf32>
    %slice3A_121 = vector.extract_strided_slice %get3A_4 {offsets = [13, 0], sizes = [1, 512], strides = [1, 1]} : vector<40x512xf32> to vector<1x512xf32>
    %sub3A_122 = vector.broadcast %slice3A_120 : vector<512x1xf32> to vector<512x512xf32>
    %sub3A_123 = vector.broadcast %slice3A_121 : vector<1x512xf32> to vector<512x512xf32>
    %sub3A_124 = arith.subf %sub3A_122, %sub3A_123 : vector<512x512xf32>
    %mul3A_125 = arith.mulf %sub3A_119, %sub3A_119 : vector<512x512xf32>
    %mul3A_126 = arith.mulf %sub3A_124, %sub3A_124 : vector<512x512xf32>
    %add3A_127 = arith.addf %mul3A_125, %mul3A_126 : vector<512x512xf32>
    %add3A_128 = arith.constant 9.99999968E-21 : f32
    %add3A_129 = vector.broadcast %add3A_128 : f32 to vector<512x512xf32>
    %add3A_130 = arith.addf %add3A_127, %add3A_129 : vector<512x512xf32>
    %rsqrt3A_131 = math.rsqrt %add3A_130 : vector<512x512xf32>
    %mul3A_132 = arith.mulf %add3A_130, %rsqrt3A_131 : vector<512x512xf32>
    %add3A_133 = arith.addf %add3A_114, %mul3A_132 : vector<512x512xf32>
    %slice3A_134 = vector.extract_strided_slice %get3A_1 {offsets = [0, 14], sizes = [512, 1], strides = [1, 1]} : vector<512x40xf32> to vector<512x1xf32>
    %slice3A_135 = vector.extract_strided_slice %get3A_4 {offsets = [14, 0], sizes = [1, 512], strides = [1, 1]} : vector<40x512xf32> to vector<1x512xf32>
    %sub3A_136 = vector.broadcast %slice3A_134 : vector<512x1xf32> to vector<512x512xf32>
    %sub3A_137 = vector.broadcast %slice3A_135 : vector<1x512xf32> to vector<512x512xf32>
    %sub3A_138 = arith.subf %sub3A_136, %sub3A_137 : vector<512x512xf32>
    %slice3A_139 = vector.extract_strided_slice %get3A_1 {offsets = [0, 15], sizes = [512, 1], strides = [1, 1]} : vector<512x40xf32> to vector<512x1xf32>
    %slice3A_140 = vector.extract_strided_slice %get3A_4 {offsets = [15, 0], sizes = [1, 512], strides = [1, 1]} : vector<40x512xf32> to vector<1x512xf32>
    %sub3A_141 = vector.broadcast %slice3A_139 : vector<512x1xf32> to vector<512x512xf32>
    %sub3A_142 = vector.broadcast %slice3A_140 : vector<1x512xf32> to vector<512x512xf32>
    %sub3A_143 = arith.subf %sub3A_141, %sub3A_142 : vector<512x512xf32>
    %mul3A_144 = arith.mulf %sub3A_138, %sub3A_138 : vector<512x512xf32>
    %mul3A_145 = arith.mulf %sub3A_143, %sub3A_143 : vector<512x512xf32>
    %add3A_146 = arith.addf %mul3A_144, %mul3A_145 : vector<512x512xf32>
    %add3A_147 = arith.constant 9.99999968E-21 : f32
    %add3A_148 = vector.broadcast %add3A_147 : f32 to vector<512x512xf32>
    %add3A_149 = arith.addf %add3A_146, %add3A_148 : vector<512x512xf32>
    %rsqrt3A_150 = math.rsqrt %add3A_149 : vector<512x512xf32>
    %mul3A_151 = arith.mulf %add3A_149, %rsqrt3A_150 : vector<512x512xf32>
    %add3A_152 = arith.addf %add3A_133, %mul3A_151 : vector<512x512xf32>
    %slice3A_153 = vector.extract_strided_slice %get3A_1 {offsets = [0, 16], sizes = [512, 1], strides = [1, 1]} : vector<512x40xf32> to vector<512x1xf32>
    %slice3A_154 = vector.extract_strided_slice %get3A_4 {offsets = [16, 0], sizes = [1, 512], strides = [1, 1]} : vector<40x512xf32> to vector<1x512xf32>
    %sub3A_155 = vector.broadcast %slice3A_153 : vector<512x1xf32> to vector<512x512xf32>
    %sub3A_156 = vector.broadcast %slice3A_154 : vector<1x512xf32> to vector<512x512xf32>
    %sub3A_157 = arith.subf %sub3A_155, %sub3A_156 : vector<512x512xf32>
    %slice3A_158 = vector.extract_strided_slice %get3A_1 {offsets = [0, 17], sizes = [512, 1], strides = [1, 1]} : vector<512x40xf32> to vector<512x1xf32>
    %slice3A_159 = vector.extract_strided_slice %get3A_4 {offsets = [17, 0], sizes = [1, 512], strides = [1, 1]} : vector<40x512xf32> to vector<1x512xf32>
    %sub3A_160 = vector.broadcast %slice3A_158 : vector<512x1xf32> to vector<512x512xf32>
    %sub3A_161 = vector.broadcast %slice3A_159 : vector<1x512xf32> to vector<512x512xf32>
    %sub3A_162 = arith.subf %sub3A_160, %sub3A_161 : vector<512x512xf32>
    %mul3A_163 = arith.mulf %sub3A_157, %sub3A_157 : vector<512x512xf32>
    %mul3A_164 = arith.mulf %sub3A_162, %sub3A_162 : vector<512x512xf32>
    %add3A_165 = arith.addf %mul3A_163, %mul3A_164 : vector<512x512xf32>
    %add3A_166 = arith.constant 9.99999968E-21 : f32
    %add3A_167 = vector.broadcast %add3A_166 : f32 to vector<512x512xf32>
    %add3A_168 = arith.addf %add3A_165, %add3A_167 : vector<512x512xf32>
    %rsqrt3A_169 = math.rsqrt %add3A_168 : vector<512x512xf32>
    %mul3A_170 = arith.mulf %add3A_168, %rsqrt3A_169 : vector<512x512xf32>
    %add3A_171 = arith.addf %add3A_152, %mul3A_170 : vector<512x512xf32>
    %slice3A_172 = vector.extract_strided_slice %get3A_1 {offsets = [0, 18], sizes = [512, 1], strides = [1, 1]} : vector<512x40xf32> to vector<512x1xf32>
    %slice3A_173 = vector.extract_strided_slice %get3A_4 {offsets = [18, 0], sizes = [1, 512], strides = [1, 1]} : vector<40x512xf32> to vector<1x512xf32>
    %sub3A_174 = vector.broadcast %slice3A_172 : vector<512x1xf32> to vector<512x512xf32>
    %sub3A_175 = vector.broadcast %slice3A_173 : vector<1x512xf32> to vector<512x512xf32>
    %sub3A_176 = arith.subf %sub3A_174, %sub3A_175 : vector<512x512xf32>
    %slice3A_177 = vector.extract_strided_slice %get3A_1 {offsets = [0, 19], sizes = [512, 1], strides = [1, 1]} : vector<512x40xf32> to vector<512x1xf32>
    %slice3A_178 = vector.extract_strided_slice %get3A_4 {offsets = [19, 0], sizes = [1, 512], strides = [1, 1]} : vector<40x512xf32> to vector<1x512xf32>
    %sub3A_179 = vector.broadcast %slice3A_177 : vector<512x1xf32> to vector<512x512xf32>
    %sub3A_180 = vector.broadcast %slice3A_178 : vector<1x512xf32> to vector<512x512xf32>
    %sub3A_181 = arith.subf %sub3A_179, %sub3A_180 : vector<512x512xf32>
    %mul3A_182 = arith.mulf %sub3A_176, %sub3A_176 : vector<512x512xf32>
    %mul3A_183 = arith.mulf %sub3A_181, %sub3A_181 : vector<512x512xf32>
    %add3A_184 = arith.addf %mul3A_182, %mul3A_183 : vector<512x512xf32>
    %add3A_185 = arith.constant 9.99999968E-21 : f32
    %add3A_186 = vector.broadcast %add3A_185 : f32 to vector<512x512xf32>
    %add3A_187 = arith.addf %add3A_184, %add3A_186 : vector<512x512xf32>
    %rsqrt3A_188 = math.rsqrt %add3A_187 : vector<512x512xf32>
    %mul3A_189 = arith.mulf %add3A_187, %rsqrt3A_188 : vector<512x512xf32>
    %add3A_190 = arith.addf %add3A_171, %mul3A_189 : vector<512x512xf32>
    %slice3A_191 = vector.extract_strided_slice %get3A_1 {offsets = [0, 20], sizes = [512, 1], strides = [1, 1]} : vector<512x40xf32> to vector<512x1xf32>
    %slice3A_192 = vector.extract_strided_slice %get3A_4 {offsets = [20, 0], sizes = [1, 512], strides = [1, 1]} : vector<40x512xf32> to vector<1x512xf32>
    %sub3A_193 = vector.broadcast %slice3A_191 : vector<512x1xf32> to vector<512x512xf32>
    %sub3A_194 = vector.broadcast %slice3A_192 : vector<1x512xf32> to vector<512x512xf32>
    %sub3A_195 = arith.subf %sub3A_193, %sub3A_194 : vector<512x512xf32>
    %slice3A_196 = vector.extract_strided_slice %get3A_1 {offsets = [0, 21], sizes = [512, 1], strides = [1, 1]} : vector<512x40xf32> to vector<512x1xf32>
    %slice3A_197 = vector.extract_strided_slice %get3A_4 {offsets = [21, 0], sizes = [1, 512], strides = [1, 1]} : vector<40x512xf32> to vector<1x512xf32>
    %sub3A_198 = vector.broadcast %slice3A_196 : vector<512x1xf32> to vector<512x512xf32>
    %sub3A_199 = vector.broadcast %slice3A_197 : vector<1x512xf32> to vector<512x512xf32>
    %sub3A_200 = arith.subf %sub3A_198, %sub3A_199 : vector<512x512xf32>
    %mul3A_201 = arith.mulf %sub3A_195, %sub3A_195 : vector<512x512xf32>
    %mul3A_202 = arith.mulf %sub3A_200, %sub3A_200 : vector<512x512xf32>
    %add3A_203 = arith.addf %mul3A_201, %mul3A_202 : vector<512x512xf32>
    %add3A_204 = arith.constant 9.99999968E-21 : f32
    %add3A_205 = vector.broadcast %add3A_204 : f32 to vector<512x512xf32>
    %add3A_206 = arith.addf %add3A_203, %add3A_205 : vector<512x512xf32>
    %rsqrt3A_207 = math.rsqrt %add3A_206 : vector<512x512xf32>
    %mul3A_208 = arith.mulf %add3A_206, %rsqrt3A_207 : vector<512x512xf32>
    %add3A_209 = arith.addf %add3A_190, %mul3A_208 : vector<512x512xf32>
    %slice3A_210 = vector.extract_strided_slice %get3A_1 {offsets = [0, 22], sizes = [512, 1], strides = [1, 1]} : vector<512x40xf32> to vector<512x1xf32>
    %slice3A_211 = vector.extract_strided_slice %get3A_4 {offsets = [22, 0], sizes = [1, 512], strides = [1, 1]} : vector<40x512xf32> to vector<1x512xf32>
    %sub3A_212 = vector.broadcast %slice3A_210 : vector<512x1xf32> to vector<512x512xf32>
    %sub3A_213 = vector.broadcast %slice3A_211 : vector<1x512xf32> to vector<512x512xf32>
    %sub3A_214 = arith.subf %sub3A_212, %sub3A_213 : vector<512x512xf32>
    %slice3A_215 = vector.extract_strided_slice %get3A_1 {offsets = [0, 23], sizes = [512, 1], strides = [1, 1]} : vector<512x40xf32> to vector<512x1xf32>
    %slice3A_216 = vector.extract_strided_slice %get3A_4 {offsets = [23, 0], sizes = [1, 512], strides = [1, 1]} : vector<40x512xf32> to vector<1x512xf32>
    %sub3A_217 = vector.broadcast %slice3A_215 : vector<512x1xf32> to vector<512x512xf32>
    %sub3A_218 = vector.broadcast %slice3A_216 : vector<1x512xf32> to vector<512x512xf32>
    %sub3A_219 = arith.subf %sub3A_217, %sub3A_218 : vector<512x512xf32>
    %mul3A_220 = arith.mulf %sub3A_214, %sub3A_214 : vector<512x512xf32>
    %mul3A_221 = arith.mulf %sub3A_219, %sub3A_219 : vector<512x512xf32>
    %add3A_222 = arith.addf %mul3A_220, %mul3A_221 : vector<512x512xf32>
    %add3A_223 = arith.constant 9.99999968E-21 : f32
    %add3A_224 = vector.broadcast %add3A_223 : f32 to vector<512x512xf32>
    %add3A_225 = arith.addf %add3A_222, %add3A_224 : vector<512x512xf32>
    %rsqrt3A_226 = math.rsqrt %add3A_225 : vector<512x512xf32>
    %mul3A_227 = arith.mulf %add3A_225, %rsqrt3A_226 : vector<512x512xf32>
    %add3A_228 = arith.addf %add3A_209, %mul3A_227 : vector<512x512xf32>
    %slice3A_229 = vector.extract_strided_slice %get3A_1 {offsets = [0, 24], sizes = [512, 1], strides = [1, 1]} : vector<512x40xf32> to vector<512x1xf32>
    %slice3A_230 = vector.extract_strided_slice %get3A_4 {offsets = [24, 0], sizes = [1, 512], strides = [1, 1]} : vector<40x512xf32> to vector<1x512xf32>
    %sub3A_231 = vector.broadcast %slice3A_229 : vector<512x1xf32> to vector<512x512xf32>
    %sub3A_232 = vector.broadcast %slice3A_230 : vector<1x512xf32> to vector<512x512xf32>
    %sub3A_233 = arith.subf %sub3A_231, %sub3A_232 : vector<512x512xf32>
    %slice3A_234 = vector.extract_strided_slice %get3A_1 {offsets = [0, 25], sizes = [512, 1], strides = [1, 1]} : vector<512x40xf32> to vector<512x1xf32>
    %slice3A_235 = vector.extract_strided_slice %get3A_4 {offsets = [25, 0], sizes = [1, 512], strides = [1, 1]} : vector<40x512xf32> to vector<1x512xf32>
    %sub3A_236 = vector.broadcast %slice3A_234 : vector<512x1xf32> to vector<512x512xf32>
    %sub3A_237 = vector.broadcast %slice3A_235 : vector<1x512xf32> to vector<512x512xf32>
    %sub3A_238 = arith.subf %sub3A_236, %sub3A_237 : vector<512x512xf32>
    %mul3A_239 = arith.mulf %sub3A_233, %sub3A_233 : vector<512x512xf32>
    %mul3A_240 = arith.mulf %sub3A_238, %sub3A_238 : vector<512x512xf32>
    %add3A_241 = arith.addf %mul3A_239, %mul3A_240 : vector<512x512xf32>
    %add3A_242 = arith.constant 9.99999968E-21 : f32
    %add3A_243 = vector.broadcast %add3A_242 : f32 to vector<512x512xf32>
    %add3A_244 = arith.addf %add3A_241, %add3A_243 : vector<512x512xf32>
    %rsqrt3A_245 = math.rsqrt %add3A_244 : vector<512x512xf32>
    %mul3A_246 = arith.mulf %add3A_244, %rsqrt3A_245 : vector<512x512xf32>
    %add3A_247 = arith.addf %add3A_228, %mul3A_246 : vector<512x512xf32>
    %slice3A_248 = vector.extract_strided_slice %get3A_1 {offsets = [0, 26], sizes = [512, 1], strides = [1, 1]} : vector<512x40xf32> to vector<512x1xf32>
    %slice3A_249 = vector.extract_strided_slice %get3A_4 {offsets = [26, 0], sizes = [1, 512], strides = [1, 1]} : vector<40x512xf32> to vector<1x512xf32>
    %sub3A_250 = vector.broadcast %slice3A_248 : vector<512x1xf32> to vector<512x512xf32>
    %sub3A_251 = vector.broadcast %slice3A_249 : vector<1x512xf32> to vector<512x512xf32>
    %sub3A_252 = arith.subf %sub3A_250, %sub3A_251 : vector<512x512xf32>
    %slice3A_253 = vector.extract_strided_slice %get3A_1 {offsets = [0, 27], sizes = [512, 1], strides = [1, 1]} : vector<512x40xf32> to vector<512x1xf32>
    %slice3A_254 = vector.extract_strided_slice %get3A_4 {offsets = [27, 0], sizes = [1, 512], strides = [1, 1]} : vector<40x512xf32> to vector<1x512xf32>
    %sub3A_255 = vector.broadcast %slice3A_253 : vector<512x1xf32> to vector<512x512xf32>
    %sub3A_256 = vector.broadcast %slice3A_254 : vector<1x512xf32> to vector<512x512xf32>
    %sub3A_257 = arith.subf %sub3A_255, %sub3A_256 : vector<512x512xf32>
    %mul3A_258 = arith.mulf %sub3A_252, %sub3A_252 : vector<512x512xf32>
    %mul3A_259 = arith.mulf %sub3A_257, %sub3A_257 : vector<512x512xf32>
    %add3A_260 = arith.addf %mul3A_258, %mul3A_259 : vector<512x512xf32>
    %add3A_261 = arith.constant 9.99999968E-21 : f32
    %add3A_262 = vector.broadcast %add3A_261 : f32 to vector<512x512xf32>
    %add3A_263 = arith.addf %add3A_260, %add3A_262 : vector<512x512xf32>
    %rsqrt3A_264 = math.rsqrt %add3A_263 : vector<512x512xf32>
    %mul3A_265 = arith.mulf %add3A_263, %rsqrt3A_264 : vector<512x512xf32>
    %add3A_266 = arith.addf %add3A_247, %mul3A_265 : vector<512x512xf32>
    %slice3A_267 = vector.extract_strided_slice %get3A_1 {offsets = [0, 28], sizes = [512, 1], strides = [1, 1]} : vector<512x40xf32> to vector<512x1xf32>
    %slice3A_268 = vector.extract_strided_slice %get3A_4 {offsets = [28, 0], sizes = [1, 512], strides = [1, 1]} : vector<40x512xf32> to vector<1x512xf32>
    %sub3A_269 = vector.broadcast %slice3A_267 : vector<512x1xf32> to vector<512x512xf32>
    %sub3A_270 = vector.broadcast %slice3A_268 : vector<1x512xf32> to vector<512x512xf32>
    %sub3A_271 = arith.subf %sub3A_269, %sub3A_270 : vector<512x512xf32>
    %slice3A_272 = vector.extract_strided_slice %get3A_1 {offsets = [0, 29], sizes = [512, 1], strides = [1, 1]} : vector<512x40xf32> to vector<512x1xf32>
    %slice3A_273 = vector.extract_strided_slice %get3A_4 {offsets = [29, 0], sizes = [1, 512], strides = [1, 1]} : vector<40x512xf32> to vector<1x512xf32>
    %sub3A_274 = vector.broadcast %slice3A_272 : vector<512x1xf32> to vector<512x512xf32>
    %sub3A_275 = vector.broadcast %slice3A_273 : vector<1x512xf32> to vector<512x512xf32>
    %sub3A_276 = arith.subf %sub3A_274, %sub3A_275 : vector<512x512xf32>
    %mul3A_277 = arith.mulf %sub3A_271, %sub3A_271 : vector<512x512xf32>
    %mul3A_278 = arith.mulf %sub3A_276, %sub3A_276 : vector<512x512xf32>
    %add3A_279 = arith.addf %mul3A_277, %mul3A_278 : vector<512x512xf32>
    %add3A_280 = arith.constant 9.99999968E-21 : f32
    %add3A_281 = vector.broadcast %add3A_280 : f32 to vector<512x512xf32>
    %add3A_282 = arith.addf %add3A_279, %add3A_281 : vector<512x512xf32>
    %rsqrt3A_283 = math.rsqrt %add3A_282 : vector<512x512xf32>
    %mul3A_284 = arith.mulf %add3A_282, %rsqrt3A_283 : vector<512x512xf32>
    %add3A_285 = arith.addf %add3A_266, %mul3A_284 : vector<512x512xf32>
    %slice3A_286 = vector.extract_strided_slice %get3A_1 {offsets = [0, 30], sizes = [512, 1], strides = [1, 1]} : vector<512x40xf32> to vector<512x1xf32>
    %slice3A_287 = vector.extract_strided_slice %get3A_4 {offsets = [30, 0], sizes = [1, 512], strides = [1, 1]} : vector<40x512xf32> to vector<1x512xf32>
    %sub3A_288 = vector.broadcast %slice3A_286 : vector<512x1xf32> to vector<512x512xf32>
    %sub3A_289 = vector.broadcast %slice3A_287 : vector<1x512xf32> to vector<512x512xf32>
    %sub3A_290 = arith.subf %sub3A_288, %sub3A_289 : vector<512x512xf32>
    %slice3A_291 = vector.extract_strided_slice %get3A_1 {offsets = [0, 31], sizes = [512, 1], strides = [1, 1]} : vector<512x40xf32> to vector<512x1xf32>
    %slice3A_292 = vector.extract_strided_slice %get3A_4 {offsets = [31, 0], sizes = [1, 512], strides = [1, 1]} : vector<40x512xf32> to vector<1x512xf32>
    %sub3A_293 = vector.broadcast %slice3A_291 : vector<512x1xf32> to vector<512x512xf32>
    %sub3A_294 = vector.broadcast %slice3A_292 : vector<1x512xf32> to vector<512x512xf32>
    %sub3A_295 = arith.subf %sub3A_293, %sub3A_294 : vector<512x512xf32>
    %mul3A_296 = arith.mulf %sub3A_290, %sub3A_290 : vector<512x512xf32>
    %mul3A_297 = arith.mulf %sub3A_295, %sub3A_295 : vector<512x512xf32>
    %add3A_298 = arith.addf %mul3A_296, %mul3A_297 : vector<512x512xf32>
    %add3A_299 = arith.constant 9.99999968E-21 : f32
    %add3A_300 = vector.broadcast %add3A_299 : f32 to vector<512x512xf32>
    %add3A_301 = arith.addf %add3A_298, %add3A_300 : vector<512x512xf32>
    %rsqrt3A_302 = math.rsqrt %add3A_301 : vector<512x512xf32>
    %mul3A_303 = arith.mulf %add3A_301, %rsqrt3A_302 : vector<512x512xf32>
    %add3A_304 = arith.addf %add3A_285, %mul3A_303 : vector<512x512xf32>
    %slice3A_305 = vector.extract_strided_slice %get3A_1 {offsets = [0, 32], sizes = [512, 1], strides = [1, 1]} : vector<512x40xf32> to vector<512x1xf32>
    %slice3A_306 = vector.extract_strided_slice %get3A_4 {offsets = [32, 0], sizes = [1, 512], strides = [1, 1]} : vector<40x512xf32> to vector<1x512xf32>
    %sub3A_307 = vector.broadcast %slice3A_305 : vector<512x1xf32> to vector<512x512xf32>
    %sub3A_308 = vector.broadcast %slice3A_306 : vector<1x512xf32> to vector<512x512xf32>
    %sub3A_309 = arith.subf %sub3A_307, %sub3A_308 : vector<512x512xf32>
    %slice3A_310 = vector.extract_strided_slice %get3A_1 {offsets = [0, 33], sizes = [512, 1], strides = [1, 1]} : vector<512x40xf32> to vector<512x1xf32>
    %slice3A_311 = vector.extract_strided_slice %get3A_4 {offsets = [33, 0], sizes = [1, 512], strides = [1, 1]} : vector<40x512xf32> to vector<1x512xf32>
    %sub3A_312 = vector.broadcast %slice3A_310 : vector<512x1xf32> to vector<512x512xf32>
    %sub3A_313 = vector.broadcast %slice3A_311 : vector<1x512xf32> to vector<512x512xf32>
    %sub3A_314 = arith.subf %sub3A_312, %sub3A_313 : vector<512x512xf32>
    %mul3A_315 = arith.mulf %sub3A_309, %sub3A_309 : vector<512x512xf32>
    %mul3A_316 = arith.mulf %sub3A_314, %sub3A_314 : vector<512x512xf32>
    %add3A_317 = arith.addf %mul3A_315, %mul3A_316 : vector<512x512xf32>
    %add3A_318 = arith.constant 9.99999968E-21 : f32
    %add3A_319 = vector.broadcast %add3A_318 : f32 to vector<512x512xf32>
    %add3A_320 = arith.addf %add3A_317, %add3A_319 : vector<512x512xf32>
    %rsqrt3A_321 = math.rsqrt %add3A_320 : vector<512x512xf32>
    %mul3A_322 = arith.mulf %add3A_320, %rsqrt3A_321 : vector<512x512xf32>
    %add3A_323 = arith.addf %add3A_304, %mul3A_322 : vector<512x512xf32>
    %slice3A_324 = vector.extract_strided_slice %get3A_1 {offsets = [0, 34], sizes = [512, 1], strides = [1, 1]} : vector<512x40xf32> to vector<512x1xf32>
    %slice3A_325 = vector.extract_strided_slice %get3A_4 {offsets = [34, 0], sizes = [1, 512], strides = [1, 1]} : vector<40x512xf32> to vector<1x512xf32>
    %sub3A_326 = vector.broadcast %slice3A_324 : vector<512x1xf32> to vector<512x512xf32>
    %sub3A_327 = vector.broadcast %slice3A_325 : vector<1x512xf32> to vector<512x512xf32>
    %sub3A_328 = arith.subf %sub3A_326, %sub3A_327 : vector<512x512xf32>
    %slice3A_329 = vector.extract_strided_slice %get3A_1 {offsets = [0, 35], sizes = [512, 1], strides = [1, 1]} : vector<512x40xf32> to vector<512x1xf32>
    %slice3A_330 = vector.extract_strided_slice %get3A_4 {offsets = [35, 0], sizes = [1, 512], strides = [1, 1]} : vector<40x512xf32> to vector<1x512xf32>
    %sub3A_331 = vector.broadcast %slice3A_329 : vector<512x1xf32> to vector<512x512xf32>
    %sub3A_332 = vector.broadcast %slice3A_330 : vector<1x512xf32> to vector<512x512xf32>
    %sub3A_333 = arith.subf %sub3A_331, %sub3A_332 : vector<512x512xf32>
    %mul3A_334 = arith.mulf %sub3A_328, %sub3A_328 : vector<512x512xf32>
    %mul3A_335 = arith.mulf %sub3A_333, %sub3A_333 : vector<512x512xf32>
    %add3A_336 = arith.addf %mul3A_334, %mul3A_335 : vector<512x512xf32>
    %add3A_337 = arith.constant 9.99999968E-21 : f32
    %add3A_338 = vector.broadcast %add3A_337 : f32 to vector<512x512xf32>
    %add3A_339 = arith.addf %add3A_336, %add3A_338 : vector<512x512xf32>
    %rsqrt3A_340 = math.rsqrt %add3A_339 : vector<512x512xf32>
    %mul3A_341 = arith.mulf %add3A_339, %rsqrt3A_340 : vector<512x512xf32>
    %add3A_342 = arith.addf %add3A_323, %mul3A_341 : vector<512x512xf32>
    %slice3A_343 = vector.extract_strided_slice %get3A_1 {offsets = [0, 36], sizes = [512, 1], strides = [1, 1]} : vector<512x40xf32> to vector<512x1xf32>
    %slice3A_344 = vector.extract_strided_slice %get3A_4 {offsets = [36, 0], sizes = [1, 512], strides = [1, 1]} : vector<40x512xf32> to vector<1x512xf32>
    %sub3A_345 = vector.broadcast %slice3A_343 : vector<512x1xf32> to vector<512x512xf32>
    %sub3A_346 = vector.broadcast %slice3A_344 : vector<1x512xf32> to vector<512x512xf32>
    %sub3A_347 = arith.subf %sub3A_345, %sub3A_346 : vector<512x512xf32>
    %slice3A_348 = vector.extract_strided_slice %get3A_1 {offsets = [0, 37], sizes = [512, 1], strides = [1, 1]} : vector<512x40xf32> to vector<512x1xf32>
    %slice3A_349 = vector.extract_strided_slice %get3A_4 {offsets = [37, 0], sizes = [1, 512], strides = [1, 1]} : vector<40x512xf32> to vector<1x512xf32>
    %sub3A_350 = vector.broadcast %slice3A_348 : vector<512x1xf32> to vector<512x512xf32>
    %sub3A_351 = vector.broadcast %slice3A_349 : vector<1x512xf32> to vector<512x512xf32>
    %sub3A_352 = arith.subf %sub3A_350, %sub3A_351 : vector<512x512xf32>
    %mul3A_353 = arith.mulf %sub3A_347, %sub3A_347 : vector<512x512xf32>
    %mul3A_354 = arith.mulf %sub3A_352, %sub3A_352 : vector<512x512xf32>
    %add3A_355 = arith.addf %mul3A_353, %mul3A_354 : vector<512x512xf32>
    %add3A_356 = arith.constant 9.99999968E-21 : f32
    %add3A_357 = vector.broadcast %add3A_356 : f32 to vector<512x512xf32>
    %add3A_358 = arith.addf %add3A_355, %add3A_357 : vector<512x512xf32>
    %rsqrt3A_359 = math.rsqrt %add3A_358 : vector<512x512xf32>
    %mul3A_360 = arith.mulf %add3A_358, %rsqrt3A_359 : vector<512x512xf32>
    %add3A_361 = arith.addf %add3A_342, %mul3A_360 : vector<512x512xf32>
    %slice3A_362 = vector.extract_strided_slice %get3A_1 {offsets = [0, 38], sizes = [512, 1], strides = [1, 1]} : vector<512x40xf32> to vector<512x1xf32>
    %slice3A_363 = vector.extract_strided_slice %get3A_4 {offsets = [38, 0], sizes = [1, 512], strides = [1, 1]} : vector<40x512xf32> to vector<1x512xf32>
    %sub3A_364 = vector.broadcast %slice3A_362 : vector<512x1xf32> to vector<512x512xf32>
    %sub3A_365 = vector.broadcast %slice3A_363 : vector<1x512xf32> to vector<512x512xf32>
    %sub3A_366 = arith.subf %sub3A_364, %sub3A_365 : vector<512x512xf32>
    %slice3A_367 = vector.extract_strided_slice %get3A_1 {offsets = [0, 39], sizes = [512, 1], strides = [1, 1]} : vector<512x40xf32> to vector<512x1xf32>
    %slice3A_368 = vector.extract_strided_slice %get3A_4 {offsets = [39, 0], sizes = [1, 512], strides = [1, 1]} : vector<40x512xf32> to vector<1x512xf32>
    %sub3A_369 = vector.broadcast %slice3A_367 : vector<512x1xf32> to vector<512x512xf32>
    %sub3A_370 = vector.broadcast %slice3A_368 : vector<1x512xf32> to vector<512x512xf32>
    %sub3A_371 = arith.subf %sub3A_369, %sub3A_370 : vector<512x512xf32>
    %mul3A_372 = arith.mulf %sub3A_366, %sub3A_366 : vector<512x512xf32>
    %mul3A_373 = arith.mulf %sub3A_371, %sub3A_371 : vector<512x512xf32>
    %add3A_374 = arith.addf %mul3A_372, %mul3A_373 : vector<512x512xf32>
    %add3A_375 = arith.constant 9.99999968E-21 : f32
    %add3A_376 = vector.broadcast %add3A_375 : f32 to vector<512x512xf32>
    %add3A_377 = arith.addf %add3A_374, %add3A_376 : vector<512x512xf32>
    %rsqrt3A_378 = math.rsqrt %add3A_377 : vector<512x512xf32>
    %mul3A_379 = arith.mulf %add3A_377, %rsqrt3A_378 : vector<512x512xf32>
    %add3A_380 = arith.addf %add3A_361, %mul3A_379 : vector<512x512xf32>
    %reduce_min3A = arith.constant dense<0x7F800000> : vector<512xf32>
    %reduce_min3A_381 = vector.multi_reduction <minimumf>, %add3A_380, %reduce_min3A [1] : vector<512x512xf32> to vector<512xf32>
    %broadcast_in_dim3A_382 = vector.shape_cast %reduce_min3A_381 : vector<512xf32> to vector<512x1xf32>
    %iota3A = tpu.iota {dimensions = array<i32: 1>} : vector<512x512xi32>
    %eq3A = vector.broadcast %broadcast_in_dim3A_382 : vector<512x1xf32> to vector<512x512xf32>
    %eq3A_383 = arith.cmpf oeq, %add3A_380, %eq3A : vector<512x512xf32>
    %jit3A = arith.constant 512 : i32
    %broadcast_in_dim3A_384 = vector.broadcast %jit3A : i32 to vector<512x512xi32>
    %select_n3A = arith.select %eq3A_383, %iota3A, %broadcast_in_dim3A_384 : vector<512x512xi1>, vector<512x512xi32>
    %reduce_min3A_385 = arith.constant dense<2147483647> : vector<512xi32>
    %reduce_min3A_386 = vector.multi_reduction <minsi>, %select_n3A, %reduce_min3A_385 [1] : vector<512x512xi32> to vector<512xi32>
    %broadcast_in_dim3A_387 = vector.shape_cast %reduce_min3A_386 : vector<512xi32> to vector<512x1xi32>
    %mul3A_388 = arith.constant 5.000000e-02 : f32
    %mul3A_389 = vector.broadcast %mul3A_388 : f32 to vector<512x1xf32>
    %mul3A_390 = arith.mulf %broadcast_in_dim3A_382, %mul3A_389 : vector<512x1xf32>
    %neg3A = arith.constant 0.000000e+00 : f32
    %neg3A_391 = vector.broadcast %neg3A : f32 to vector<512x1xf32>
    %neg3A_392 = arith.subf %neg3A_391, %mul3A_390 : vector<512x1xf32>
    %exp3A = math.exp %neg3A_392 : vector<512x1xf32>
    %gt3A = arith.constant 2.000000e+00 : f32
    %gt3A_393 = vector.broadcast %gt3A : f32 to vector<512x1xf32>
    %gt3A_394 = arith.cmpf ogt, %mul3A_390, %gt3A_393 : vector<512x1xf32>
    %broadcast_in_dim3A_395 = arith.constant 0.000000e+00 : f32
    %broadcast_in_dim3A_396 = vector.broadcast %broadcast_in_dim3A_395 : f32 to vector<512x1xf32>
    %select_n3A_397 = arith.select %gt3A_394, %broadcast_in_dim3A_396, %exp3A : vector<512x1xi1>, vector<512x1xf32>
    %swap3A = arith.constant 0 : index
    %swap3A_398 = arith.constant 0 : index
    %swap3A_399 = vector.load %arg3[%swap3A, %swap3A_398] : memref<512x1xf32, #tpu.memory_space<vmem>>, vector<512x1xf32>
    tpu.vector_store %arg3[%swap3A, %swap3A_398], %select_n3A_397 {strides = array<i32>} : memref<512x1xf32, #tpu.memory_space<vmem>>, vector<512x1xf32>,
    %swap3A_400 = arith.constant 0 : index
    %swap3A_401 = arith.constant 0 : index
    %swap3A_402 = vector.load %arg4[%swap3A_400, %swap3A_401] : memref<512x1xi32, #tpu.memory_space<vmem>>, vector<512x1xi32>
    tpu.vector_store %arg4[%swap3A_400, %swap3A_401], %broadcast_in_dim3A_387 {strides = array<i32>} : memref<512x1xi32, #tpu.memory_space<vmem>>, vector<512x1xi32>,
    return
  }
  func.func @transform_0(%arg0: i32) -> (i32, i32) {
    %c0_i32 = arith.constant 0 : i32
    %c0_i32_0 = arith.constant 0 : i32
    return %arg0, %c0_i32 : i32, i32
  }
  func.func @transform_1(%arg0: i32) -> (i32, i32) {
    %c0_i32 = arith.constant 0 : i32
    %c0_i32_0 = arith.constant 0 : i32
    %c0_i32_1 = arith.constant 0 : i32
    return %c0_i32, %c0_i32_0 : i32, i32
  }
  func.func @transform_2(%arg0: i32) -> (i32, i32) {
    %c0_i32 = arith.constant 0 : i32
    %c0_i32_0 = arith.constant 0 : i32
    return %arg0, %c0_i32 : i32, i32
  }
  func.func @transform_3(%arg0: i32) -> (i32, i32) {
    %c0_i32 = arith.constant 0 : i32
    %c0_i32_0 = arith.constant 0 : i32
    return %arg0, %c0_i32 : i32, i32
  }
}

</mosaic_0001>

<sc_bundles>
// kernel: kernel.4.cloned.1.call-start
scs
__scs_entry_jumppad:
0x0: {  	(pc) =	sbr.rel $0x88, $3  }
0x1: {  	(tag) =	ssettag $0x0;
	lr =	simm.s32 $0x1  }
0x2: {  	[smem:$0x3F9F] =	sst lr;
	_ =	strace $0xD0000000  }
0x3: {  	_ = 	snop  }
0x4: {  	_ = 	snop  }
0x5: {  	_ = 	snop  }
0x6: {  	_ = 	snop  }
0x7: {  	_ = 	snop  }
__scs_overlays_trampoline_lowered:
0x8: {  	[smem:$0x3FAE] =	sst s0  }
0x9: {  	[smem:$0x3FAF] =	sst s1  }
0xa: {  	[smem:$0x3FB0] =	sst s2  }
0xb: {  	[smem:$0x3FB1] =	sst s3  }
0xc: {  	[smem:$0x3FB2] =	sst s4  }
0xd: {  	[smem:$0x3FB3] =	sst s5  }
0xe: {  	[smem:$0x3FB4] =	sst s6  }
0xf: {  	[smem:$0x3FB5] =	sst s7  }
0x10: {  	[smem:$0x3FB6] =	sst s8  }
0x11: {  	[smem:$0x3FB7] =	sst s9;
	s0 =	simm.s32 @!p0 $0x0  }
0x12: {  	s1 =	sld [smem:$0x3F9D];
	s0 =	simm.s32 @p0 $0x1  }
0x13: {  	[smem:$0x3FB8] =	sst s0;
	s0 =	simm.s32 @!p1 $0x0  }
0x14: {  	s2 =	sld [smem:$0x3F9C];
	s0 =	simm.s32 @p1 $0x1  }
0x15: {  	[smem:$0x3FB9] =	sst s0;
	s0 =	simm.s32 @!p2 $0x0  }
0x16: {  	s3 =	sld [smem:$0x3FDB];
	s0 =	simm.s32 @p2 $0x1  }
0x17: {  	s4 =	simm.s32 $0x1BF5;
	[smem:$0x3FBB] =	sst s0  }
0x18: {  	s0 =	sld [smem:$0x3F9E];
	_ =	swait.ge [sflag:s4], $0x0  }
0x19: {  	s7 =	sld [smem:$0x3F9F]  }
0x1a: {  	s8 =	sadd.s32 $0xFFFFE003, lr  }
0x1b: {  	s9 =	sadd.s32 $0xFFFFFEF7, lr;
	s5 =	simm.s32 $0xFFFFFFFF;
	p2 =	slt.u32 s8, $0xFFFFF086  }
0x1c: {  	p1 =	slt.u32 s9, $0xF7A;
	s5 =	simm.s32 @!p2 $0x0  }
0x1d: {  	s5 =	simm.s32 @p1 $0x1;
	p0 =	seq.s32 s7, s2  }
0x1e: {  	s7 =	smul.u32 @!p0 $0xF7A, s2;
	p2 =	seq.s32 @!p0 s5, $0x0  }
0x1f: {  	s9 =	smul.u32 $0xF7A, s1;
	s8 =	simm.s32 @!p0 $0x1BF5;
	p2 =	por !p2, p0  }
0x20: {  	[sflag:s8] =	ssyncset.s32 @!p0 $0xFFFFF086;
	s6 =	sadd.s32 @!p0 s3, s7;
	s7 =	simm.s32 @!p0 $0x108  }
0x21: {  	s3 =	sadd.s32 s3, s9;
	s6 =	sadd.s32 @!p0 $0x88, s6;
	s7 =	simm.s32 @p2 $0x1082  }
0x22: {  	[simem:s7], [sflag:s8] =	dma.local @!p0 [hbm:s6], $0xF7A  }
0x23: {  	s9 =	sor.u32 $0xD0000000, s2;
	s6 =	simm.s32 $0x108;
	_ =	swait.ge @!p0 [sflag:s8], $0x0  }
0x24: {  	s3 =	sadd.s32 $0x88, s3;
	s6 =	simm.s32 @!p1 $0x1082;
	[sflag:s4] =	ssyncset.s32 $0xFFFFF086  }
0x25: {  	[simem:s6], [sflag:s4] =	dma.local [hbm:s3], $0xF7A  }
0x26: {  	[smem:$0x3F9F] =	sst s1;
	(tag) =	ssettag s2;
	_ =	strace s9  }
0x27: {  	s1 =	sld [smem:$0x3FAF]  }
0x28: {  	s2 =	sld [smem:$0x3FB0]  }
0x29: {  	s4 =	sld [smem:$0x3FB2]  }
0x2a: {  	p0 =	seq.s32 s5, $0x0;
	s5 =	sld [smem:$0x3FB3]  }
0x2b: {  	s6 =	sld [smem:$0x3FB4]  }
0x2c: {  	s7 =	sld [smem:$0x3FB5]  }
0x2d: {  	s3 =	simm.s32 $0x108;
	s8 =	sld [smem:$0x3FB6]  }
0x2e: {  	s3 =	simm.s32 @!p0 $0x1082;
	s9 =	sld [smem:$0x3FB7]  }
0x2f: {  	lr =	sadd.s32 s0, s3;
	s0 =	sld [smem:$0x3FAE]  }
0x30: {  	s3 =	sld [smem:$0x3FB1]  }
0x31: {  	[smem:$0x3FBA] =	sst s10  }
0x32: {  	s10 =	sld [smem:$0x3FB8];
	_ =	sdelay $0x3  }
0x33: {  	p0 =	seq.s32 s10, $0x1;
	s10 =	sld [smem:$0x3FBA];
	_ =	sdelay $0x3  }
0x34: {  	[smem:$0x3FBA] =	sst s10  }
0x35: {  	s10 =	sld [smem:$0x3FB9];
	_ =	sdelay $0x3  }
0x36: {  	p1 =	seq.s32 s10, $0x1;
	s10 =	sld [smem:$0x3FBA];
	_ =	sdelay $0x3  }
0x37: {  	[smem:$0x3FBA] =	sst s10  }
0x38: {  	s10 =	sld [smem:$0x3FBB]  }
0x39: {  	_ = 	snop;
	(pc) =	sbr.ind lr, $3  }
0x3a: {  	_ = 	snop  }
0x3b: {  	_ = 	snop  }
0x3c: {  	p2 =	seq.s32 s10, $0x1;
	s10 =	sld [smem:$0x3FBA]  }
0x3d: {  	_ =	shalt  }
0x3e: {  	_ =	shalt  }
0x3f: {  	_ =	shalt  }
0x40: {  	_ =	shalt  }
0x41: {  	_ =	shalt  }
0x42: {  	_ =	shalt  }
0x43: {  	_ =	shalt  }
0x44: {  	_ =	shalt  }
0x45: {  	_ =	shalt  }
0x46: {  	_ =	shalt  }
0x47: {  	_ =	shalt  }
0x48: {  	_ =	shalt  }
0x49: {  	_ =	shalt  }
0x4a: {  	_ =	shalt  }
0x4b: {  	_ =	shalt  }
0x4c: {  	_ =	shalt  }
0x4d: {  	_ =	shalt  }
0x4e: {  	_ =	shalt  }
0x4f: {  	_ =	shalt  }
0x50: {  	_ =	shalt  }
0x51: {  	_ =	shalt  }
0x52: {  	_ =	shalt  }
0x53: {  	_ =	shalt  }
0x54: {  	_ =	shalt  }
0x55: {  	_ =	shalt  }
0x56: {  	_ =	shalt  }
0x57: {  	_ =	shalt  }
0x58: {  	_ =	shalt  }
0x59: {  	_ =	shalt  }
0x5a: {  	_ =	shalt  }
0x5b: {  	_ =	shalt  }
0x5c: {  	_ =	shalt  }
0x5d: {  	_ =	shalt  }
0x5e: {  	_ =	shalt  }
0x5f: {  	_ =	shalt  }
0x60: {  	_ =	shalt  }
0x61: {  	_ =	shalt  }
0x62: {  	_ =	shalt  }
0x63: {  	_ =	shalt  }
0x64: {  	_ =	shalt  }
0x65: {  	_ =	shalt  }
0x66: {  	_ =	shalt  }
0x67: {  	_ =	shalt  }
0x68: {  	_ =	shalt  }
0x69: {  	_ =	shalt  }
0x6a: {  	_ =	shalt  }
0x6b: {  	_ =	shalt  }
0x6c: {  	_ =	shalt  }
0x6d: {  	_ =	shalt  }
0x6e: {  	_ =	shalt  }
0x6f: {  	_ =	shalt  }
0x70: {  	_ =	shalt  }
0x71: {  	_ =	shalt  }
0x72: {  	_ =	shalt  }
0x73: {  	_ =	shalt  }
0x74: {  	_ =	shalt  }
0x75: {  	_ =	shalt  }
0x76: {  	_ =	shalt  }
0x77: {  	_ =	shalt  }
0x78: {  	_ =	shalt  }
0x79: {  	_ =	shalt  }
0x7a: {  	_ =	shalt  }
0x7b: {  	_ =	shalt  }
0x7c: {  	_ =	shalt  }
0x7d: {  	_ =	shalt  }
0x7e: {  	_ =	shalt  }
0x7f: {  	_ =	shalt  }
0x80: {  	_ =	shalt  }
0x81: {  	_ =	shalt  }
0x82: {  	_ =	shalt  }
0x83: {  	_ =	shalt  }
0x84: {  	_ =	shalt  }
0x85: {  	_ =	shalt  }
0x86: {  	_ =	shalt  }
0x87: {  	_ =	shalt  }
.Lfunc_end0:
.L_simem_size_0:
called_computation_lowered:
.L_overlay_start_0:
0x88: {  	s2 =	sld [smem:$0x3FD9]  }
0x89: {  	s3 =	sld [smem:$0x3FFE];
	_ =	sdelay $0x1  }
0x8a: {  	s1 =	srdreg.scid  }
0x8b: {  	s0 =	sand.u32 $0x1, s1  }
0x8c: {  	s14 =	sshll.u32 s0, $0xA;
	s2 =	sadd.s32 s3, s2  }
0x8d: {  	s2 =	sadd.s32 s2, s14  }
0x8e: {  	[smem:$0x3FC6] =	sst s2  }
0x8f: {  	_ = 	snop  }
0x90: {  	s2 =	sld [smem:$0x3FD0];
	_ =	sdelay $0x2  }
0x91: {  	s15 =	simm.s32 $0xA;
	s4 =	simm.s32 $0x10  }
0x92: {  	[smem:s4], [sflag:s15] =	dma.local [hbm:s2], $0x1  }
0x93: {  	_ =	swait.eq [sflag:s15], $0x1  }
0x94: {  	[sflag:s15] =	ssyncset.done $0x0  }
0x95: {  	s16 =	sld [smem:$0x10];
	[sflag:s15] =	ssyncadd.s32 $0xFFFFFFFF  }
0x96: {  	s17 =	sld [smem:$0x12];
	(tm) =	ssettm $0x1  }
0x97: {  	s18 =	sld [smem:$0x3FFB];
	_ =	sdelay $0x3  }
0x98: {  	_ =	strace s18  }
0x99: {  	s4 =	sld [smem:$0x3FFC];
	_ =	sdelay $0x3  }
0x9a: {  	_ =	strace s4  }
0x9b: {  	s4 =	sld [smem:$0x3FFD];
	_ =	sdelay $0x3  }
0x9c: {  	_ =	strace s4  }
0x9d: {  	_ =	strace $0x8FFFFFFF  }
0x9e: {  	s19 =	sld [smem:$0x3FDB];
	_ =	sdelay $0x1  }
0x9f: {  	s5 =	simm.s32 $_scs_section_size  }
0xa0: {  	s6 =	simm.s32 $_size__tile_overlayer_lowered;
	s7 =	simm.s32 $_tile_overlayer_lowered  }
0xa1: {  	s22 =	simm.s32 $0x1BFF;
	s21 =	sshll.u32 s7, $0x1;
	s4 =	sadd.s32 s5, s19  }
0xa2: {  	s8 =	simm.s32 $0x0;
	s20 =	sshll.u32 s6, $0x1;
	s6 =	sadd.s32 s21, s4  }
0xa3: {  	[timem:s8], [sflag:s22] =	dma.local [hbm:s6], s20  }
0xa4: {  	_ =	swait.ge [sflag:s22], s20  }
0xa5: {  	s5 =	ssub.s32 $0x0, s20;
	[sflag:s22] =	ssyncset.done $0x0  }
0xa6: {  	[sflag:s22] =	ssyncadd.s32 s5;
	_ =	sdelay $0x1  }
0xa7: {  	s23 =	simm.s32 $0x1B8B  }
0xa8: {  	_ =	swait.ge [sflag:s23], $0x1  }
0xa9: {  	[sflag:s23] =	ssyncset.done $0x0  }
0xaa: {  	s25 =	simm.s32 $0x1B8E;
	s24 =	sld [smem:$0x3FFE];
	[sflag:s23] =	ssyncadd.s32 $0xFFFFFFFF  }
0xab: {  	s26 =	simm.s32 $execute0_lowered;
	[smem:$0x3FD2] =	sst s25  }
0xac: {  	s6 =	sshll.u32 s26, $0x1;
	_ =	strace $0x80000046;
	[dreg:$0x1] =	wrdreg $0xFFFFFFFF  }
0xad: {  	s28 =	simm.s32 $_size_execute0_lowered;
	s4 =	sadd.s32 s4, s6;
	[dreg:$0x0] =	wrdreg $0x0  }
0xae: {  	s6 =	sshll.u32 s28, $0x1;
	[dreg:$0x2] =	wrdreg s4  }
0xaf: {  	[dreg:$0x3] =	wrdreg s6  }
0xb0: {  	[dreg:$0x4] =	wrdreg $0xC0  }
0xb1: {  	_ =	task [dreg:s8], $0x5FFFF  }
0xb2: {  	[dreg:$0x1] =	wrdreg $0xFFFFFFFF  }
0xb3: {  	[dreg:$0x0] =	wrdreg $0x60  }
0xb4: {  	[dreg:$0x2] =	wrdreg s16  }
0xb5: {  	[dreg:$0x3] =	wrdreg s17  }
0xb6: {  	[dreg:$0x4] =	wrdreg s24  }
0xb7: {  	[dreg:$0x5] =	wrdreg $0x9  }
0xb8: {  	_ =	task.clear_ibuf [dreg:s8], $0x6FFFF;
	_ =	strace $0x90000046  }
0xb9: {  	s29 =	simm.s32 $0x9;
	_ =	strace $0x80000048  }
0xba: {  	_ =	swait.ge [sflag:s29], $0x1  }
0xbb: {  	[sflag:s29] =	ssyncadd.s32 $0xFFFFFFFF  }
0xbc: {  	_ =	strace $0x90000048  }
0xbd: {  	_ =	sfence  }
0xbe: {  	s30 =	sld [smem:$0x0];
	_ =	sdelay $0x2  }
0xbf: {  	s31 =	sshll.u32 s1, $0xD;
	s1 =	sshrl.u32 s1, $0x2  }
0xc0: {  	s3 =	sand.u32 $0x4000, s31;
	s1 =	sadd.s32 s1, s30  }
0xc1: {  	s0 =	sor.u32 s3, s0;
	s1 =	sshll.u32 s1, $0x11  }
0xc2: {  	s0 =	sor.u32 s1, s0  }
0xc3: {  	s0 =	sadd.s32 $0x8F2B, s0  }
0xc4: {  	[sflag:s0] =	ssyncadd.remote.s32 $0x1  }
0xc5: {  	_ =	sfence.sel $0xFFFF  }
0xc6: {  	[dreg:$0x0] =	wrdreg $0xFFFFFFFF;
	(pc) =	sbr.abs _section_cstart, $3  }
0xc7: {  	[dreg:$0x1] =	wrdreg $0xFFFFFFFF  }
0xc8: {  	_ =	task.clear_ibuf [dreg:s8], $0x2FFFF;
	_ =	strace $0x9FFFFFFF  }
0xc9: {  	(tm) =	ssettm $0x7FFFFFFF  }
tec
execute0_lowered:
.L_overlay_start_1:
0x0: {  	(tag) =	ssettag $0x1  }
0x1: {  	s1 =	rddreg [dreg:$0x0];
	s2 =	srdreg.scid  }
0x2: {  	s4 =	rddreg [dreg:$0x1];
	s0 =	stileid.u32  }
0x3: {  	s9 =	rddreg [dreg:$0x2];
	s3 =	simm.s32 $0x0;
	s6 =	sand.u32 $0x1, s2  }
0x4: {  	s5 =	sshll.u32 s0, $0x7;
	s2 =	rddreg [dreg:$0x3];
	s7 =	sshll.u32 s6, $0x6  }
0x5: {  	s8 =	simm.s32 $0x1;
	[smem:$0x7FF] =	sst s3;
	s10 =	sor.u32 s7, s5  }
0x6: {  	_ =	strace $0x80000047;
	s11 =	ssub.s32 $0x2, s6;
	s5 =	sshrl.u32 s10, $0x3  }
0x7: {  	s6 =	simm.s32 $0x40;
	s5 =	sadd.s32 s4, s5;
	s4 =	simm.s32 $0x2  }
0x8: {  	[tilespmem:s3], [sflag:$0x2] =	stream.linear.gather [hbm4b:s5+s3], $0x40, $0x38;
	[tilespmem:$0x2080] =	vst v63  }
0x9: {  	s7 =	simm.s32 $0x80;
	s12 =	sshrl.u32 s11, $0x1;
	_ =	swait.ge [sflag:s4], $0x40  }
0xa: {  	s10 =	sshll.u32 s10, $0x4;
	s31 =	ssub.s32 s11, s12;
	[sflag:s4] =	ssyncset.done $0x0  }
0xb: {  	s9 =	sadd.s32 s10, s9;
	s10 =	smax.u32 s31, $0x1;
	[sflag:s4] =	ssyncadd.s32 $0xFFFFFFC0  }
0xc: {  	[tilespmem:s7], [sflag:$0x1] =	stream.indirect.gather [hbm4b:s1+s6], $0x80, s3, s6, $0xb8;
	[tilespmem:$0x2080] =	vst v63  }
0xd: {  	p0 =	sne.s32 s10, $0x1;
	_ =	swait.ge [sflag:s8], $0x2000  }
.Ltmp0:
0xe: {  	[sflag:s8] =	ssyncset.done $0x0;
	(pc) =	sbr.rel @!p0 .LBB2_2-.Ltmp0, $4  }
0xf: {  	s9 =	sadd.s32 $0x200, s9;
	[sflag:s8] =	ssyncadd.s32 $0xFFFFE000  }
0x10: {  	[hbm4b:s9+s3] =	stream.linear.scatter [tilespmem:s7], [sflag:$0x2], $0x2000, $0x38;
	[tilespmem:$0x2080] =	vst v63  }
0x11: {  	_ =	swait.ge [sflag:s4], $0x2000  }
0x12: {  	s10 =	sadd.s32 $0xFFFFFFFF, s10;
	[sflag:s4] =	ssyncset.done $0x0  }
.LBB2_1:
0x13: {  	p0 =	sne.s32 s10, $0x1;
	s10 =	sadd.s32 $0xFFFFFFFF, s10;
	[sflag:s4] =	ssyncadd.s32 $0xFFFFE000  }
0x14: {  	[tilespmem:s3], [sflag:$0x2] =	stream.linear.gather [hbm4b:s5+s3], $0x40, $0x38;
	[tilespmem:$0x2080] =	vst v63  }
0x15: {  	_ =	swait.ge [sflag:s4], $0x40  }
0x16: {  	[sflag:s4] =	ssyncset.done $0x0  }
0x17: {  	[sflag:s4] =	ssyncadd.s32 $0xFFFFFFC0  }
0x18: {  	[tilespmem:s7], [sflag:$0x1] =	stream.indirect.gather [hbm4b:s1+s6], $0x80, s3, s6, $0xb8;
	[tilespmem:$0x2080] =	vst v63  }
0x19: {  	_ =	swait.ge [sflag:s8], $0x2000  }
.Ltmp1:
0x1a: {  	[sflag:s8] =	ssyncset.done $0x0;
	(pc) =	sbr.rel @p0 .LBB2_1-.Ltmp1, $4  }
0x1b: {  	[sflag:s8] =	ssyncadd.s32 $0xFFFFE000  }
0x1c: {  	[hbm4b:s9+s3] =	stream.linear.scatter [tilespmem:s7], [sflag:$0x2], $0x2000, $0x38;
	[tilespmem:$0x2080] =	vst v63  }
0x1d: {  	_ =	swait.ge [sflag:s4], $0x2000  }
0x1e: {  	[sflag:s4] =	ssyncset.done $0x0  }
.LBB2_2:
0x1f: {  	[sflag:s4] =	ssyncadd.s32 $0xFFFFE000  }
0x20: {  	_ =	sfence.sel $0x180000  }
0x21: {  	[bflag:$0x0] =	sbarrier.arrive $0xFFFF  }
0x22: {  	p0 =	sne.s32 s0, $0x0;
	_ =	strace $0x90000047  }
0x23: {  	s0 =	sadd.s32 @!p0 $0x100000, s2;
	[bflag:$0x2] =	sbarrier.arrive $0xFFFF  }
0x24: {  	[sflag:s0] =	ssyncadd.tile.s32 @!p0 $0x1;
	_ =	shalt  }
.Lfunc_end2:
_tile_overlayer_lowered:
.L_overlay_start_2:
0x25: {  	(tag) =	ssettag $0x2  }
0x26: {  	s0 =	rddreg [dreg:$0x0];
	s2 =	stileid.u32  }
0x27: {  	s1 =	rddreg [dreg:$0x1];
	p0 =	sne.s32 s2, $0x0  }
0x28: {  	s3 =	rddreg [dreg:$0x2];
	[bflag:$0x3] =	sbarrier.arrive $0xFFFF;
	s2 =	simm.s32 @!p0 $0x1C02  }
0x29: {  	[timem:s3], [sflag:s2] =	dma.local @!p0 [hbm:s0], s1  }
0x2a: {  	s0 =	simm.s32 @!p0 $0x2  }
0x2b: {  	_ =	swait.ge @!p0 [sflag:s0], s1  }
0x2c: {  	s1 =	ssub.s32 @!p0 $0x0, s1;
	[sflag:s0] =	ssyncset.done @!p0 $0x0  }
0x2d: {  	[sflag:s0] =	ssyncadd.s32 @!p0 s1  }
0x2e: {  	[bflag:$0x3] =	sbarrier.arrive $0xFFFF  }
0x2f: {  	_ =	shalt  }

</sc_bundles>
